<compile_context>
chip_gen: v7x
topology: tpu7x:2x2x1
jax: 0.10.2.dev20260603
libtpu: 0.0.44.dev20260713+nightly
codegen_flags: <defaults>
</compile_context>

<pallas_src>
import functools

import jax
import jax.numpy as jnp
from jax import lax
from jax.experimental import pallas as pl
from jax.experimental.pallas import tpu as pltpu
from jax.experimental.pallas import tpu_sc as plsc

K = 8192
D = 256
N = 8192
COMMITMENT_COST = 0.25

NC = 2
NS = 16
NW = NC * NS
BPW = N // NW

_SC_MESH = plsc.VectorSubcoreMesh(core_axis_name="c", subcore_axis_name="s")


def _sc_gather_hist_body(table_hbm, idx_hbm, ones_hbm, zeros_hbm,
                         q_hbm, hist_hbm,
                         idx_v, rows_v, ones_v, hist_sh, sem):
    c = lax.axis_index("c")
    s = lax.axis_index("s")
    wid = s * NC + c
    base = wid * BPW

    pltpu.sync_copy(idx_hbm.at[pl.ds(base, BPW)], idx_v)
    gather = pltpu.async_copy(table_hbm.at[idx_v], rows_v, sem)

    pltpu.sync_copy(ones_hbm, ones_v)

    @pl.when(s == 0)
    def _():
        pltpu.sync_copy(zeros_hbm, hist_sh)

    plsc.subcore_barrier()
    pltpu.sync_copy(ones_v, hist_sh.at[idx_v], add=True)

    gather.wait()
    pltpu.sync_copy(rows_v, q_hbm.at[pl.ds(base, BPW)])

    plsc.subcore_barrier()

    @pl.when(s == 0)
    def _():
        pltpu.sync_copy(hist_sh, hist_hbm.at[c])


@functools.partial(
    pl.kernel,
    mesh=_SC_MESH,
    out_type=[
        jax.ShapeDtypeStruct((N, D), jnp.float32),
        jax.ShapeDtypeStruct((NC, K), jnp.float32),
    ],
    scratch_types=[
        pltpu.VMEM((BPW,), jnp.int32),
        pltpu.VMEM((BPW, D), jnp.float32),
        pltpu.VMEM((BPW,), jnp.float32),
        pltpu.VMEM_SHARED((K,), jnp.float32),
        pltpu.SemaphoreType.DMA,
    ],
)
def _sc_gather_hist(table_hbm, idx_hbm, ones_hbm, zeros_hbm,
                    q_hbm, hist_hbm, idx_v, rows_v, ones_v, hist_sh, sem):
    _sc_gather_hist_body(table_hbm, idx_hbm, ones_hbm, zeros_hbm,
                         q_hbm, hist_hbm, idx_v, rows_v, ones_v, hist_sh, sem)


BM = 512
RB = N // BM


def _epilogue_kernel(x_ref, q_ref, hist_ref, loss_ref, perp_ref,
                     acc_ref):
    r = pl.program_id(0)
    x = x_ref[:]
    q = q_ref[:]
    diff = q - x
    ssq = jnp.sum(diff * diff).reshape(1, 1)

    @pl.when(r == 0)
    def _():
        acc_ref[:, :] = ssq

    @pl.when(r > 0)
    def _():
        acc_ref[:, :] = acc_ref[:, :] + ssq

    @pl.when(r == RB - 1)
    def _():
        cb = acc_ref[:, :] / (N * D)
        loss_ref[:, :] = cb + COMMITMENT_COST * cb
        counts = hist_ref[0:1, :] + hist_ref[1:2, :]
        p = counts / N
        ent = jnp.sum(p * jnp.log(p + 1e-10), axis=1, keepdims=True)
        perp_ref[:, :] = jnp.exp(-ent)


def _epilogue_call(xf, q, hist):
    loss, perp = pl.pallas_call(
        _epilogue_kernel,
        grid=(RB,),
        in_specs=[
            pl.BlockSpec((BM, D), lambda r: (r, 0)),
            pl.BlockSpec((BM, D), lambda r: (r, 0)),
            pl.BlockSpec((NC, K), lambda r: (0, 0)),
        ],
        out_specs=[
            pl.BlockSpec((1, 1), lambda r: (0, 0)),
            pl.BlockSpec((1, 1), lambda r: (0, 0)),
        ],
        out_shape=[
            jax.ShapeDtypeStruct((1, 1), jnp.float32),
            jax.ShapeDtypeStruct((1, 1), jnp.float32),
        ],
        scratch_shapes=[pltpu.VMEM((1, 1), jnp.float32)],
    )(xf, q, hist)
    return loss[0, 0], perp[0, 0]


def kernel(inputs, embedding_weight):
    B, C, H, W = inputs.shape
    inputs_flat = jnp.transpose(lax.optimization_barrier(inputs),
                                (0, 2, 3, 1)).reshape(-1, D)
    xf_dist = jnp.transpose(inputs, (0, 2, 3, 1)).reshape(-1, D)
    distances = (jnp.sum(xf_dist ** 2, axis=1, keepdims=True)
                 + jnp.sum(embedding_weight ** 2, axis=1)[None, :]
                 - 2.0 * xf_dist @ embedding_weight.T)
    idx_flat = jnp.argmin(distances, axis=1)

    ones = jnp.ones((BPW,), jnp.float32)
    zeros = jnp.zeros((K,), jnp.float32)
    q, hist = _sc_gather_hist(embedding_weight, idx_flat, ones, zeros)

    vq_loss, perplexity = _epilogue_call(inputs_flat, q, hist)

    quantized_out = q.reshape(inputs.shape)
    indices_reshaped = idx_flat.reshape(B, H, W)
    return (quantized_out, vq_loss, indices_reshaped, perplexity)

# --- scband reference (transcript-rebuilt; emitter-appended) ---
"""Pipeline reference for scband-vector-quantizer-61624190763226 (READ-ONLY COPY).

The authoritative reference and input builder live on the scoring server;
editing this copy changes nothing except your own understanding.
"""

import jax, jax.numpy as jnp
import numpy as np

NUM_EMBEDDINGS = 8192
EMBEDDING_DIM = 256
COMMITMENT_COST = 0.25


def setup_inputs(seed: int = 0) -> dict:
    key = jax.random.key(seed)
    k1, k2 = jax.random.split(key)
    inputs = jax.random.normal(k1, (8, 256, 32, 32), dtype=jnp.float32)
    embedding_weight = jax.random.uniform(
        k2, (NUM_EMBEDDINGS, EMBEDDING_DIM),
        minval=-1.0 / NUM_EMBEDDINGS, maxval=1.0 / NUM_EMBEDDINGS,
        dtype=jnp.float32)
    return {"inputs": inputs, "embedding_weight": embedding_weight}


def reference(inputs, embedding_weight):
    B, C, H, W = inputs.shape
    # permute (0,2,3,1) and flatten to [N, D]
    inputs_flat = jnp.transpose(inputs, (0, 2, 3, 1)).reshape(-1, EMBEDDING_DIM)
    # squared euclidean distances (cdist ** 2)
    distances = (jnp.sum(inputs_flat ** 2, axis=1, keepdims=True)
                 + jnp.sum(embedding_weight ** 2, axis=1)[None, :]
                 - 2.0 * inputs_flat @ embedding_weight.T)
    encoding_indices = jnp.argmin(distances, axis=1)[:, None]  # [N, 1]
    quantized = jnp.take(embedding_weight, encoding_indices[:, 0], axis=0)  # [N, D]
    codebook_loss = jnp.mean((quantized - jax.lax.stop_gradient(inputs_flat)) ** 2)
    commitment_loss = COMMITMENT_COST * jnp.mean((inputs_flat - jax.lax.stop_gradient(quantized)) ** 2)
    vq_loss = codebook_loss + commitment_loss
    quantized_st = inputs_flat + jax.lax.stop_gradient(quantized - inputs_flat)
    # faithful to torch .view(inputs.shape): raw reshape of flat buffer
    quantized_out = quantized_st.reshape(inputs.shape)
    indices_reshaped = encoding_indices.reshape(B, H, W)
    encodings_one_hot = jax.nn.one_hot(encoding_indices, NUM_EMBEDDINGS, dtype=jnp.float32)  # [N,1,K]
    avg_probs = jnp.mean(encodings_one_hot, axis=0)  # [1, K]
    perplexity = jnp.exp(-jnp.sum(avg_probs * jnp.log(avg_probs + 1e-10)))
    return (quantized_out, vq_loss, indices_reshaped, perplexity)

if __name__ == "__main__":
    import jax
    _d = setup_inputs()
    print(jax.jit(kernel)(*tuple(_d.values())))

</pallas_src>

<mosaic_0001>
#map = affine_map<(d0, d1) -> (0, 0)>
#map1 = affine_map<(d0, d1) -> (0)>
module attributes {stable_mosaic.version = 14 : i64} {
  func.func @_sc_gather_hist(%arg0: i32, %arg1: i32, %arg2: memref<8192x256xf32, #tpu.memory_space<hbm>>, %arg3: memref<8192xi32, #tpu.memory_space<hbm>>, %arg4: memref<256xf32, #tpu.memory_space<hbm>>, %arg5: memref<8192xf32, #tpu.memory_space<hbm>>, %arg6: memref<8192x256xf32, #tpu.memory_space<hbm>>, %arg7: memref<2x8192xf32, #tpu.memory_space<hbm>>, %arg8: memref<256xi32, #tpu.memory_space<vmem>>, %arg9: memref<256x256xf32, #tpu.memory_space<vmem>>, %arg10: memref<256xf32, #tpu.memory_space<vmem>>, %arg11: memref<8192xf32, #tpu.memory_space<vmem_shared>>, %arg12: memref<!tpu.dma_semaphore, #tpu.memory_space<semaphore_mem>>) attributes {dimension_semantics = [#tpu.dimension_semantics<core_parallel>, #tpu.dimension_semantics<subcore_parallel>], iteration_bounds = array<i64: 2, 16>, scalar_prefetch = 0 : i64, scratch_operands = 5 : i64, tpu.core_type = #tpu.core_type<sc_vector_subcore>, window_params = [{transform_indices = #map}, {transform_indices = #map1}, {transform_indices = #map1}, {transform_indices = #map1}, {transform_indices = #map}, {transform_indices = #map}]} {
    %mul3A = arith.constant 2 : i32
    %mul3A_0 = arith.muli %arg1, %mul3A : i32
    %add3A = arith.addi %mul3A_0, %arg0 : i32
    %mul3A_1 = arith.constant 256 : i32
    %mul3A_2 = arith.muli %add3A, %mul3A_1 : i32
    "tpu.region"() ({
      %run_scoped3A = tpu.sem_alloc : memref<!tpu.dma_semaphore, #tpu.memory_space<semaphore_mem>>
      %dma_start3A_15 = tpu.memref_slice %arg3[%mul3A_2] : memref<8192xi32, #tpu.memory_space<hbm>> -> memref<256xi32, #tpu.memory_space<hbm>>
      %dma_start3A_16 = tpu.memref_slice %arg3[%mul3A_2] : memref<8192xi32, #tpu.memory_space<hbm>> -> memref<256xi32, #tpu.memory_space<hbm>>
      tpu.enqueue_dma source(%dma_start3A_16 : memref<256xi32, #tpu.memory_space<hbm>>) target(%arg8 : memref<256xi32, #tpu.memory_space<vmem>>) target_semaphore(%run_scoped3A : memref<!tpu.dma_semaphore, #tpu.memory_space<semaphore_mem>>)
      %dma_wait3A_17 = tpu.memref_slice %arg3[%mul3A_2] : memref<8192xi32, #tpu.memory_space<hbm>> -> memref<256xi32, #tpu.memory_space<hbm>>
      %dma_wait3A_18 = tpu.memref_slice %arg3[%mul3A_2] : memref<8192xi32, #tpu.memory_space<hbm>> -> memref<256xi32, #tpu.memory_space<hbm>>
      tpu.wait_dma2 semaphore(%run_scoped3A : memref<!tpu.dma_semaphore, #tpu.memory_space<semaphore_mem>>) src(%dma_wait3A_18 : memref<256xi32, #tpu.memory_space<hbm>>) dst(%arg8 : memref<256xi32, #tpu.memory_space<vmem>>)
      tpu.yield
    }) : () -> ()
    %dma_start3A = arith.constant 0 : i32
    %dma_start3A_3 = arith.constant 0 : i32
    %dma_start3A_4 = tpu.memref_slice %arg2[%dma_start3A, %dma_start3A_3] : memref<8192x256xf32, #tpu.memory_space<hbm>> -> memref<8192x256xf32, #tpu.memory_space<hbm>>
    tpu.enqueue_indirect_dma source(%dma_start3A_4 : memref<8192x256xf32, #tpu.memory_space<hbm>>) target(%arg9 : memref<256x256xf32, #tpu.memory_space<vmem>>) offsets(%arg8 : memref<256xi32, #tpu.memory_space<vmem>>) semaphore(%arg12 : memref<!tpu.dma_semaphore, #tpu.memory_space<semaphore_mem>>)
    "tpu.region"() ({
      %run_scoped3A = tpu.sem_alloc : memref<!tpu.dma_semaphore, #tpu.memory_space<semaphore_mem>>
      tpu.enqueue_dma source(%arg4 : memref<256xf32, #tpu.memory_space<hbm>>) target(%arg10 : memref<256xf32, #tpu.memory_space<vmem>>) target_semaphore(%run_scoped3A : memref<!tpu.dma_semaphore, #tpu.memory_space<semaphore_mem>>)
      tpu.wait_dma2 semaphore(%run_scoped3A : memref<!tpu.dma_semaphore, #tpu.memory_space<semaphore_mem>>) src(%arg4 : memref<256xf32, #tpu.memory_space<hbm>>) dst(%arg10 : memref<256xf32, #tpu.memory_space<vmem>>)
      tpu.yield
    }) : () -> ()
    %eq3A = arith.constant 0 : i32
    %eq3A_5 = arith.cmpi eq, %arg1, %eq3A : i32
    %convert_element_type3A = arith.extui %eq3A_5 : i1 to i32
    %cond3A = arith.constant 0 : i32
    %cond3A_6 = arith.cmpi ne, %convert_element_type3A, %cond3A : i32
    scf.if %cond3A_6 {
      "tpu.region"() ({
        %run_scoped3A = tpu.sem_alloc : memref<!tpu.dma_semaphore, #tpu.memory_space<semaphore_mem>>
        tpu.enqueue_dma source(%arg5 : memref<8192xf32, #tpu.memory_space<hbm>>) target(%arg11 : memref<8192xf32, #tpu.memory_space<vmem_shared>>) target_semaphore(%run_scoped3A : memref<!tpu.dma_semaphore, #tpu.memory_space<semaphore_mem>>)
        tpu.wait_dma2 semaphore(%run_scoped3A : memref<!tpu.dma_semaphore, #tpu.memory_space<semaphore_mem>>) src(%arg5 : memref<8192xf32, #tpu.memory_space<hbm>>) dst(%arg11 : memref<8192xf32, #tpu.memory_space<vmem_shared>>)
        tpu.yield
      }) : () -> ()
    } else {
    }
    %barrier3A = arith.constant 0 : index
    tpu.barrier barrier_id(%barrier3A)
    "tpu.region"() ({
      %run_scoped3A = tpu.sem_alloc : memref<!tpu.dma_semaphore, #tpu.memory_space<semaphore_mem>>
      %dma_start3A_15 = arith.constant 0 : i32
      %dma_start3A_16 = tpu.memref_slice %arg11[%dma_start3A_15] : memref<8192xf32, #tpu.memory_space<vmem_shared>> -> memref<8192xf32, #tpu.memory_space<vmem_shared>>
      tpu.enqueue_indirect_dma source(%arg10 : memref<256xf32, #tpu.memory_space<vmem>>) target(%dma_start3A_16 : memref<8192xf32, #tpu.memory_space<vmem_shared>>) offsets(%arg8 : memref<256xi32, #tpu.memory_space<vmem>>) semaphore(%run_scoped3A : memref<!tpu.dma_semaphore, #tpu.memory_space<semaphore_mem>>) {add = true}
      %dma_wait3A_17 = arith.constant 0 : i32
      %dma_wait3A_18 = tpu.memref_slice %arg11[%dma_wait3A_17] : memref<8192xf32, #tpu.memory_space<vmem_shared>> -> memref<8192xf32, #tpu.memory_space<vmem_shared>>
      tpu.wait_indirect_dma semaphore(%run_scoped3A : memref<!tpu.dma_semaphore, #tpu.memory_space<semaphore_mem>>) src(%arg10 : memref<256xf32, #tpu.memory_space<vmem>>) dst(%dma_wait3A_18 : memref<8192xf32, #tpu.memory_space<vmem_shared>>)
      tpu.yield
    }) : () -> ()
    %dma_wait3A = arith.constant 0 : i32
    %dma_wait3A_7 = arith.constant 0 : i32
    %dma_wait3A_8 = tpu.memref_slice %arg2[%dma_wait3A, %dma_wait3A_7] : memref<8192x256xf32, #tpu.memory_space<hbm>> -> memref<8192x256xf32, #tpu.memory_space<hbm>>
    tpu.wait_indirect_dma semaphore(%arg12 : memref<!tpu.dma_semaphore, #tpu.memory_space<semaphore_mem>>) src(%dma_wait3A_8 : memref<8192x256xf32, #tpu.memory_space<hbm>>) dst(%arg9 : memref<256x256xf32, #tpu.memory_space<vmem>>)
    "tpu.region"() ({
      %run_scoped3A = tpu.sem_alloc : memref<!tpu.dma_semaphore, #tpu.memory_space<semaphore_mem>>
      %dma_start3A_15 = arith.constant 0 : i32
      %dma_start3A_16 = tpu.memref_slice %arg6[%mul3A_2, %dma_start3A_15] : memref<8192x256xf32, #tpu.memory_space<hbm>> -> memref<256x256xf32, #tpu.memory_space<hbm>>
      %dma_start3A_17 = arith.constant 0 : i32
      %dma_start3A_18 = tpu.memref_slice %arg6[%mul3A_2, %dma_start3A_17] : memref<8192x256xf32, #tpu.memory_space<hbm>> -> memref<256x256xf32, #tpu.memory_space<hbm>>
      tpu.enqueue_dma source(%arg9 : memref<256x256xf32, #tpu.memory_space<vmem>>) target(%dma_start3A_18 : memref<256x256xf32, #tpu.memory_space<hbm>>) target_semaphore(%run_scoped3A : memref<!tpu.dma_semaphore, #tpu.memory_space<semaphore_mem>>)
      %dma_wait3A_19 = arith.constant 0 : i32
      %dma_wait3A_20 = tpu.memref_slice %arg6[%mul3A_2, %dma_wait3A_19] : memref<8192x256xf32, #tpu.memory_space<hbm>> -> memref<256x256xf32, #tpu.memory_space<hbm>>
      %dma_wait3A_21 = arith.constant 0 : i32
      %dma_wait3A_22 = tpu.memref_slice %arg6[%mul3A_2, %dma_wait3A_21] : memref<8192x256xf32, #tpu.memory_space<hbm>> -> memref<256x256xf32, #tpu.memory_space<hbm>>
      tpu.wait_dma2 semaphore(%run_scoped3A : memref<!tpu.dma_semaphore, #tpu.memory_space<semaphore_mem>>) src(%arg9 : memref<256x256xf32, #tpu.memory_space<vmem>>) dst(%dma_wait3A_22 : memref<256x256xf32, #tpu.memory_space<hbm>>)
      tpu.yield
    }) : () -> ()
    %barrier3A_9 = arith.constant 0 : index
    tpu.barrier barrier_id(%barrier3A_9)
    %eq3A_10 = arith.constant 0 : i32
    %eq3A_11 = arith.cmpi eq, %arg1, %eq3A_10 : i32
    %convert_element_type3A_12 = arith.extui %eq3A_11 : i1 to i32
    %cond3A_13 = arith.constant 0 : i32
    %cond3A_14 = arith.cmpi ne, %convert_element_type3A_12, %cond3A_13 : i32
    scf.if %cond3A_14 {
      "tpu.region"() ({
        %run_scoped3A = tpu.sem_alloc : memref<!tpu.dma_semaphore, #tpu.memory_space<semaphore_mem>>
        %dma_start3A_15 = arith.constant 0 : i32
        %dma_start3A_16 = tpu.memref_slice %arg7[%arg0, %dma_start3A_15] : memref<2x8192xf32, #tpu.memory_space<hbm>> -> memref<1x8192xf32, #tpu.memory_space<hbm>>
        %dma_start3A_17 = tpu.memref_squeeze %dma_start3A_16 : memref<1x8192xf32, #tpu.memory_space<hbm>> -> memref<8192xf32, #tpu.memory_space<hbm>>
        tpu.enqueue_dma source(%arg11 : memref<8192xf32, #tpu.memory_space<vmem_shared>>) target(%dma_start3A_17 : memref<8192xf32, #tpu.memory_space<hbm>>) target_semaphore(%run_scoped3A : memref<!tpu.dma_semaphore, #tpu.memory_space<semaphore_mem>>)
        %dma_wait3A_18 = arith.constant 0 : i32
        %dma_wait3A_19 = tpu.memref_slice %arg7[%arg0, %dma_wait3A_18] : memref<2x8192xf32, #tpu.memory_space<hbm>> -> memref<1x8192xf32, #tpu.memory_space<hbm>>
        %dma_wait3A_20 = tpu.memref_squeeze %dma_wait3A_19 : memref<1x8192xf32, #tpu.memory_space<hbm>> -> memref<8192xf32, #tpu.memory_space<hbm>>
        tpu.wait_dma2 semaphore(%run_scoped3A : memref<!tpu.dma_semaphore, #tpu.memory_space<semaphore_mem>>) src(%arg11 : memref<8192xf32, #tpu.memory_space<vmem_shared>>) dst(%dma_wait3A_20 : memref<8192xf32, #tpu.memory_space<hbm>>)
        tpu.yield
      }) : () -> ()
    } else {
    }
    return
  }
}

module attributes {stable_mosaic.version = 14 : i64} {
  func.func @_epilogue_kernel(%arg0: i32, %arg1: memref<512x256xf32, #tpu.memory_space<vmem>>, %arg2: memref<512x256xf32, #tpu.memory_space<vmem>>, %arg3: memref<2x8192xf32, #tpu.memory_space<vmem>>, %arg4: memref<1x1xf32, #tpu.memory_space<vmem>>, %arg5: memref<1x1xf32, #tpu.memory_space<vmem>>, %arg6: memref<1x1xf32, #tpu.memory_space<vmem>>) attributes {dimension_semantics = [#tpu.dimension_semantics<arbitrary>], iteration_bounds = array<i64: 16>, scalar_prefetch = 0 : i64, scratch_operands = 1 : i64, tpu.core_type = #tpu.core_type<tc>, window_params = [{transform_indices = @transform_0, window_bounds = array<i64: 512, 256>}, {transform_indices = @transform_1, window_bounds = array<i64: 512, 256>}, {pipeline_mode = #tpu.pipeline_mode<synchronous>, transform_indices = @transform_2, window_bounds = array<i64: 2, 8192>}, {pipeline_mode = #tpu.pipeline_mode<synchronous>, transform_indices = @transform_3, window_bounds = array<i64: 1, 1>}, {pipeline_mode = #tpu.pipeline_mode<synchronous>, transform_indices = @transform_4, window_bounds = array<i64: 1, 1>}]} {
    %get3A = arith.constant 0 : index
    %get3A_0 = arith.constant 0 : index
    %get3A_1 = vector.load %arg1[%get3A, %get3A_0] : memref<512x256xf32, #tpu.memory_space<vmem>>, vector<512x256xf32>
    %get3A_2 = arith.constant 0 : index
    %get3A_3 = arith.constant 0 : index
    %get3A_4 = vector.load %arg2[%get3A_2, %get3A_3] : memref<512x256xf32, #tpu.memory_space<vmem>>, vector<512x256xf32>
    %sub3A = arith.subf %get3A_4, %get3A_1 : vector<512x256xf32>
    %mul3A = arith.mulf %sub3A, %sub3A : vector<512x256xf32>
    %reduce_sum3A = vector.shape_cast %mul3A : vector<512x256xf32> to vector<1x512x256xf32>
    %reduce_sum3A_5 = arith.constant dense<0.000000e+00> : vector<1xf32>
    %reduce_sum3A_6 = vector.multi_reduction <add>, %reduce_sum3A, %reduce_sum3A_5 [1, 2] : vector<1x512x256xf32> to vector<1xf32>
    %reduce_sum3A_7 = vector.shape_cast %reduce_sum3A_6 : vector<1xf32> to vector<1x1x1xf32>
    %reduce_sum3A_8 = vector.extract %reduce_sum3A_7[0, 0, 0] : f32 from vector<1x1x1xf32>
    %reshape3A = vector.broadcast %reduce_sum3A_8 : f32 to vector<1x1xf32>
    %eq3A = arith.constant 0 : i32
    %eq3A_9 = arith.cmpi eq, %arg0, %eq3A : i32
    %convert_element_type3A = arith.extui %eq3A_9 : i1 to i32
    %cond3A = arith.constant 0 : i32
    %cond3A_10 = arith.cmpi ne, %convert_element_type3A, %cond3A : i32
    scf.if %cond3A_10 {
      %swap3A = arith.constant 0 : index
      %swap3A_20 = arith.constant 0 : index
      %swap3A_21 = vector.load %arg6[%swap3A, %swap3A_20] : memref<1x1xf32, #tpu.memory_space<vmem>>, vector<1x1xf32>
      tpu.vector_store %arg6[%swap3A, %swap3A_20], %reshape3A {strides = array<i32>} : memref<1x1xf32, #tpu.memory_space<vmem>>, vector<1x1xf32>,
    } else {
    }
    %gt3A = arith.constant 0 : i32
    %gt3A_11 = arith.cmpi sgt, %arg0, %gt3A : i32
    %convert_element_type3A_12 = arith.extui %gt3A_11 : i1 to i32
    %cond3A_13 = arith.constant 0 : i32
    %cond3A_14 = arith.cmpi ne, %convert_element_type3A_12, %cond3A_13 : i32
    scf.if %cond3A_14 {
      %get3A_20 = arith.constant 0 : index
      %get3A_21 = arith.constant 0 : index
      %get3A_22 = vector.load %arg6[%get3A_20, %get3A_21] : memref<1x1xf32, #tpu.memory_space<vmem>>, vector<1x1xf32>
      %add3A = arith.addf %get3A_22, %reshape3A : vector<1x1xf32>
      %swap3A = arith.constant 0 : index
      %swap3A_23 = arith.constant 0 : index
      %swap3A_24 = vector.load %arg6[%swap3A, %swap3A_23] : memref<1x1xf32, #tpu.memory_space<vmem>>, vector<1x1xf32>
      tpu.vector_store %arg6[%swap3A, %swap3A_23], %add3A {strides = array<i32>} : memref<1x1xf32, #tpu.memory_space<vmem>>, vector<1x1xf32>,
    } else {
    }
    %eq3A_15 = arith.constant 15 : i32
    %eq3A_16 = arith.cmpi eq, %arg0, %eq3A_15 : i32
    %convert_element_type3A_17 = arith.extui %eq3A_16 : i1 to i32
    %cond3A_18 = arith.constant 0 : i32
    %cond3A_19 = arith.cmpi ne, %convert_element_type3A_17, %cond3A_18 : i32
    scf.if %cond3A_19 {
      %get3A_20 = arith.constant 0 : index
      %get3A_21 = arith.constant 0 : index
      %get3A_22 = vector.load %arg6[%get3A_20, %get3A_21] : memref<1x1xf32, #tpu.memory_space<vmem>>, vector<1x1xf32>
      %div3A = arith.constant 0x4A000000 : f32
      %div3A_23 = vector.broadcast %div3A : f32 to vector<1x1xf32>
      %div3A_24 = arith.divf %get3A_22, %div3A_23 : vector<1x1xf32>
      %mul3A_25 = arith.constant 2.500000e-01 : f32
      %mul3A_26 = vector.broadcast %mul3A_25 : f32 to vector<1x1xf32>
      %mul3A_27 = arith.mulf %mul3A_26, %div3A_24 : vector<1x1xf32>
      %add3A = arith.addf %div3A_24, %mul3A_27 : vector<1x1xf32>
      %swap3A = arith.constant 0 : index
      %swap3A_28 = arith.constant 0 : index
      %swap3A_29 = vector.load %arg4[%swap3A, %swap3A_28] : memref<1x1xf32, #tpu.memory_space<vmem>>, vector<1x1xf32>
      tpu.vector_store %arg4[%swap3A, %swap3A_28], %add3A {strides = array<i32>} : memref<1x1xf32, #tpu.memory_space<vmem>>, vector<1x1xf32>,
      %get3A_30 = arith.constant 0 : index
      %get3A_31 = arith.constant 0 : index
      %get3A_32 = vector.load %arg3[%get3A_30, %get3A_31] : memref<2x8192xf32, #tpu.memory_space<vmem>>, vector<1x8192xf32>
      %get3A_33 = arith.constant 1 : index
      %get3A_34 = arith.constant 0 : index
      %get3A_35 = vector.load %arg3[%get3A_33, %get3A_34] : memref<2x8192xf32, #tpu.memory_space<vmem>>, vector<1x8192xf32>
      %add3A_36 = arith.addf %get3A_32, %get3A_35 : vector<1x8192xf32>
      %div3A_37 = arith.constant 8.192000e+03 : f32
      %div3A_38 = vector.broadcast %div3A_37 : f32 to vector<1x8192xf32>
      %div3A_39 = arith.divf %add3A_36, %div3A_38 : vector<1x8192xf32>
      %add3A_40 = arith.constant 1.000000e-10 : f32
      %add3A_41 = vector.broadcast %add3A_40 : f32 to vector<1x8192xf32>
      %add3A_42 = arith.addf %div3A_39, %add3A_41 : vector<1x8192xf32>
      %log3A = math.log %add3A_42 : vector<1x8192xf32>
      %mul3A_43 = arith.mulf %div3A_39, %log3A : vector<1x8192xf32>
      %reduce_sum3A_44 = arith.constant dense<0.000000e+00> : vector<1xf32>
      %reduce_sum3A_45 = vector.multi_reduction <add>, %mul3A_43, %reduce_sum3A_44 [1] : vector<1x8192xf32> to vector<1xf32>
      %broadcast_in_dim3A = vector.shape_cast %reduce_sum3A_45 : vector<1xf32> to vector<1x1xf32>
      %neg3A = arith.constant 0.000000e+00 : f32
      %neg3A_46 = vector.broadcast %neg3A : f32 to vector<1x1xf32>
      %neg3A_47 = arith.subf %neg3A_46, %broadcast_in_dim3A : vector<1x1xf32>
      %exp3A = math.exp %neg3A_47 : vector<1x1xf32>
      %swap3A_48 = arith.constant 0 : index
      %swap3A_49 = arith.constant 0 : index
      %swap3A_50 = vector.load %arg5[%swap3A_48, %swap3A_49] : memref<1x1xf32, #tpu.memory_space<vmem>>, vector<1x1xf32>
      tpu.vector_store %arg5[%swap3A_48, %swap3A_49], %exp3A {strides = array<i32>} : memref<1x1xf32, #tpu.memory_space<vmem>>, vector<1x1xf32>,
    } else {
    }
    return
  }
  func.func @transform_0(%arg0: i32) -> (i32, i32) {
    %c0_i32 = arith.constant 0 : i32
    %c0_i32_0 = arith.constant 0 : i32
    return %arg0, %c0_i32 : i32, i32
  }
  func.func @transform_1(%arg0: i32) -> (i32, i32) {
    %c0_i32 = arith.constant 0 : i32
    %c0_i32_0 = arith.constant 0 : i32
    return %arg0, %c0_i32 : i32, i32
  }
  func.func @transform_2(%arg0: i32) -> (i32, i32) {
    %c0_i32 = arith.constant 0 : i32
    %c0_i32_0 = arith.constant 0 : i32
    %c0_i32_1 = arith.constant 0 : i32
    return %c0_i32, %c0_i32_0 : i32, i32
  }
  func.func @transform_3(%arg0: i32) -> (i32, i32) {
    %c0_i32 = arith.constant 0 : i32
    %c0_i32_0 = arith.constant 0 : i32
    %c0_i32_1 = arith.constant 0 : i32
    return %c0_i32, %c0_i32_0 : i32, i32
  }
  func.func @transform_4(%arg0: i32) -> (i32, i32) {
    %c0_i32 = arith.constant 0 : i32
    %c0_i32_0 = arith.constant 0 : i32
    %c0_i32_1 = arith.constant 0 : i32
    return %c0_i32, %c0_i32_0 : i32, i32
  }
}

</mosaic_0001>

<sc_bundles>
// kernel: kernel.4.cloned.1.call-start
scs
__scs_entry_jumppad:
0x0: {  	(pc) =	sbr.rel $0x88, $3  }
0x1: {  	(tag) =	ssettag $0x0;
	lr =	simm.s32 $0x1  }
0x2: {  	[smem:$0x3F9F] =	sst lr;
	_ =	strace $0xD0000000  }
0x3: {  	_ = 	snop  }
0x4: {  	_ = 	snop  }
0x5: {  	_ = 	snop  }
0x6: {  	_ = 	snop  }
0x7: {  	_ = 	snop  }
__scs_overlays_trampoline_lowered:
0x8: {  	[smem:$0x3FAE] =	sst s0  }
0x9: {  	[smem:$0x3FAF] =	sst s1  }
0xa: {  	[smem:$0x3FB0] =	sst s2  }
0xb: {  	[smem:$0x3FB1] =	sst s3  }
0xc: {  	[smem:$0x3FB2] =	sst s4  }
0xd: {  	[smem:$0x3FB3] =	sst s5  }
0xe: {  	[smem:$0x3FB4] =	sst s6  }
0xf: {  	[smem:$0x3FB5] =	sst s7  }
0x10: {  	[smem:$0x3FB6] =	sst s8  }
0x11: {  	[smem:$0x3FB7] =	sst s9;
	s0 =	simm.s32 @!p0 $0x0  }
0x12: {  	s1 =	sld [smem:$0x3F9D];
	s0 =	simm.s32 @p0 $0x1  }
0x13: {  	[smem:$0x3FB8] =	sst s0;
	s0 =	simm.s32 @!p1 $0x0  }
0x14: {  	s2 =	sld [smem:$0x3F9C];
	s0 =	simm.s32 @p1 $0x1  }
0x15: {  	[smem:$0x3FB9] =	sst s0;
	s0 =	simm.s32 @!p2 $0x0  }
0x16: {  	s3 =	sld [smem:$0x3FDB];
	s0 =	simm.s32 @p2 $0x1  }
0x17: {  	s4 =	simm.s32 $0x1BF5;
	[smem:$0x3FBB] =	sst s0  }
0x18: {  	s0 =	sld [smem:$0x3F9E];
	_ =	swait.ge [sflag:s4], $0x0  }
0x19: {  	s7 =	sld [smem:$0x3F9F]  }
0x1a: {  	s8 =	sadd.s32 $0xFFFFE003, lr  }
0x1b: {  	s9 =	sadd.s32 $0xFFFFFEF7, lr;
	s5 =	simm.s32 $0xFFFFFFFF;
	p2 =	slt.u32 s8, $0xFFFFF086  }
0x1c: {  	p1 =	slt.u32 s9, $0xF7A;
	s5 =	simm.s32 @!p2 $0x0  }
0x1d: {  	s5 =	simm.s32 @p1 $0x1;
	p0 =	seq.s32 s7, s2  }
0x1e: {  	s7 =	smul.u32 @!p0 $0xF7A, s2;
	p2 =	seq.s32 @!p0 s5, $0x0  }
0x1f: {  	s9 =	smul.u32 $0xF7A, s1;
	s8 =	simm.s32 @!p0 $0x1BF5;
	p2 =	por !p2, p0  }
0x20: {  	[sflag:s8] =	ssyncset.s32 @!p0 $0xFFFFF086;
	s6 =	sadd.s32 @!p0 s3, s7;
	s7 =	simm.s32 @!p0 $0x108  }
0x21: {  	s3 =	sadd.s32 s3, s9;
	s6 =	sadd.s32 @!p0 $0x88, s6;
	s7 =	simm.s32 @p2 $0x1082  }
0x22: {  	[simem:s7], [sflag:s8] =	dma.local @!p0 [hbm:s6], $0xF7A  }
0x23: {  	s9 =	sor.u32 $0xD0000000, s2;
	s6 =	simm.s32 $0x108;
	_ =	swait.ge @!p0 [sflag:s8], $0x0  }
0x24: {  	s3 =	sadd.s32 $0x88, s3;
	s6 =	simm.s32 @!p1 $0x1082;
	[sflag:s4] =	ssyncset.s32 $0xFFFFF086  }
0x25: {  	[simem:s6], [sflag:s4] =	dma.local [hbm:s3], $0xF7A  }
0x26: {  	[smem:$0x3F9F] =	sst s1;
	(tag) =	ssettag s2;
	_ =	strace s9  }
0x27: {  	s1 =	sld [smem:$0x3FAF]  }
0x28: {  	s2 =	sld [smem:$0x3FB0]  }
0x29: {  	s4 =	sld [smem:$0x3FB2]  }
0x2a: {  	p0 =	seq.s32 s5, $0x0;
	s5 =	sld [smem:$0x3FB3]  }
0x2b: {  	s6 =	sld [smem:$0x3FB4]  }
0x2c: {  	s7 =	sld [smem:$0x3FB5]  }
0x2d: {  	s3 =	simm.s32 $0x108;
	s8 =	sld [smem:$0x3FB6]  }
0x2e: {  	s3 =	simm.s32 @!p0 $0x1082;
	s9 =	sld [smem:$0x3FB7]  }
0x2f: {  	lr =	sadd.s32 s0, s3;
	s0 =	sld [smem:$0x3FAE]  }
0x30: {  	s3 =	sld [smem:$0x3FB1]  }
0x31: {  	[smem:$0x3FBA] =	sst s10  }
0x32: {  	s10 =	sld [smem:$0x3FB8];
	_ =	sdelay $0x3  }
0x33: {  	p0 =	seq.s32 s10, $0x1;
	s10 =	sld [smem:$0x3FBA];
	_ =	sdelay $0x3  }
0x34: {  	[smem:$0x3FBA] =	sst s10  }
0x35: {  	s10 =	sld [smem:$0x3FB9];
	_ =	sdelay $0x3  }
0x36: {  	p1 =	seq.s32 s10, $0x1;
	s10 =	sld [smem:$0x3FBA];
	_ =	sdelay $0x3  }
0x37: {  	[smem:$0x3FBA] =	sst s10  }
0x38: {  	s10 =	sld [smem:$0x3FBB]  }
0x39: {  	_ = 	snop;
	(pc) =	sbr.ind lr, $3  }
0x3a: {  	_ = 	snop  }
0x3b: {  	_ = 	snop  }
0x3c: {  	p2 =	seq.s32 s10, $0x1;
	s10 =	sld [smem:$0x3FBA]  }
0x3d: {  	_ =	shalt  }
0x3e: {  	_ =	shalt  }
0x3f: {  	_ =	shalt  }
0x40: {  	_ =	shalt  }
0x41: {  	_ =	shalt  }
0x42: {  	_ =	shalt  }
0x43: {  	_ =	shalt  }
0x44: {  	_ =	shalt  }
0x45: {  	_ =	shalt  }
0x46: {  	_ =	shalt  }
0x47: {  	_ =	shalt  }
0x48: {  	_ =	shalt  }
0x49: {  	_ =	shalt  }
0x4a: {  	_ =	shalt  }
0x4b: {  	_ =	shalt  }
0x4c: {  	_ =	shalt  }
0x4d: {  	_ =	shalt  }
0x4e: {  	_ =	shalt  }
0x4f: {  	_ =	shalt  }
0x50: {  	_ =	shalt  }
0x51: {  	_ =	shalt  }
0x52: {  	_ =	shalt  }
0x53: {  	_ =	shalt  }
0x54: {  	_ =	shalt  }
0x55: {  	_ =	shalt  }
0x56: {  	_ =	shalt  }
0x57: {  	_ =	shalt  }
0x58: {  	_ =	shalt  }
0x59: {  	_ =	shalt  }
0x5a: {  	_ =	shalt  }
0x5b: {  	_ =	shalt  }
0x5c: {  	_ =	shalt  }
0x5d: {  	_ =	shalt  }
0x5e: {  	_ =	shalt  }
0x5f: {  	_ =	shalt  }
0x60: {  	_ =	shalt  }
0x61: {  	_ =	shalt  }
0x62: {  	_ =	shalt  }
0x63: {  	_ =	shalt  }
0x64: {  	_ =	shalt  }
0x65: {  	_ =	shalt  }
0x66: {  	_ =	shalt  }
0x67: {  	_ =	shalt  }
0x68: {  	_ =	shalt  }
0x69: {  	_ =	shalt  }
0x6a: {  	_ =	shalt  }
0x6b: {  	_ =	shalt  }
0x6c: {  	_ =	shalt  }
0x6d: {  	_ =	shalt  }
0x6e: {  	_ =	shalt  }
0x6f: {  	_ =	shalt  }
0x70: {  	_ =	shalt  }
0x71: {  	_ =	shalt  }
0x72: {  	_ =	shalt  }
0x73: {  	_ =	shalt  }
0x74: {  	_ =	shalt  }
0x75: {  	_ =	shalt  }
0x76: {  	_ =	shalt  }
0x77: {  	_ =	shalt  }
0x78: {  	_ =	shalt  }
0x79: {  	_ =	shalt  }
0x7a: {  	_ =	shalt  }
0x7b: {  	_ =	shalt  }
0x7c: {  	_ =	shalt  }
0x7d: {  	_ =	shalt  }
0x7e: {  	_ =	shalt  }
0x7f: {  	_ =	shalt  }
0x80: {  	_ =	shalt  }
0x81: {  	_ =	shalt  }
0x82: {  	_ =	shalt  }
0x83: {  	_ =	shalt  }
0x84: {  	_ =	shalt  }
0x85: {  	_ =	shalt  }
0x86: {  	_ =	shalt  }
0x87: {  	_ =	shalt  }
.Lfunc_end0:
.L_simem_size_0:
called_computation_lowered:
.L_overlay_start_0:
0x88: {  	s2 =	sld [smem:$0x3FD9]  }
0x89: {  	s3 =	sld [smem:$0x3FFE];
	_ =	sdelay $0x1  }
0x8a: {  	s1 =	srdreg.scid  }
0x8b: {  	s0 =	sand.u32 $0x1, s1  }
0x8c: {  	s14 =	sshll.u32 s0, $0xA;
	s2 =	sadd.s32 s3, s2  }
0x8d: {  	s2 =	sadd.s32 s2, s14  }
0x8e: {  	[smem:$0x3FC6] =	sst s2  }
0x8f: {  	_ = 	snop  }
0x90: {  	s2 =	sld [smem:$0x3FD0];
	_ =	sdelay $0x2  }
0x91: {  	s4 =	simm.s32 $0xA;
	s5 =	simm.s32 $0x10;
	s15 =	sld [smem:$0x3FC8]  }
0x92: {  	[smem:s5], [sflag:s4] =	dma.local [hbm:s2], $0x1  }
0x93: {  	_ =	swait.eq [sflag:s4], $0x1  }
0x94: {  	[sflag:s4] =	ssyncset.done $0x0  }
0x95: {  	[sflag:s4] =	ssyncadd.s32 $0xFFFFFFFF  }
0x96: {  	s16 =	sld [smem:$0x10];
	(tm) =	ssettm $0x1  }
0x97: {  	s17 =	sld [smem:$0x3FFB];
	_ =	sdelay $0x3  }
0x98: {  	_ =	strace s17  }
0x99: {  	s4 =	sld [smem:$0x3FFC];
	_ =	sdelay $0x3  }
0x9a: {  	_ =	strace s4  }
0x9b: {  	s4 =	sld [smem:$0x3FFD];
	_ =	sdelay $0x3  }
0x9c: {  	_ =	strace s4  }
0x9d: {  	_ =	strace $0x8FFFFFFF  }
0x9e: {  	s18 =	sld [smem:$0x3FDB];
	_ =	sdelay $0x1  }
0x9f: {  	s19 =	simm.s32 $_scs_section_size  }
0xa0: {  	s6 =	simm.s32 $_size__tile_overlayer_lowered;
	s7 =	simm.s32 $_tile_overlayer_lowered  }
0xa1: {  	s22 =	simm.s32 $0x1BFF;
	s21 =	sshll.u32 s7, $0x1;
	s4 =	sadd.s32 s19, s18  }
0xa2: {  	s8 =	simm.s32 $0x0;
	s20 =	sshll.u32 s6, $0x1;
	s6 =	sadd.s32 s21, s4  }
0xa3: {  	[timem:s8], [sflag:s22] =	dma.local [hbm:s6], s20  }
0xa4: {  	_ =	swait.ge [sflag:s22], s20  }
0xa5: {  	s5 =	ssub.s32 $0x0, s20;
	[sflag:s22] =	ssyncset.done $0x0  }
0xa6: {  	[sflag:s22] =	ssyncadd.s32 s5;
	_ =	sdelay $0x1  }
0xa7: {  	s23 =	simm.s32 $0x1B8B  }
0xa8: {  	_ =	swait.ge [sflag:s23], $0x1  }
0xa9: {  	[sflag:s23] =	ssyncset.done $0x0  }
0xaa: {  	s25 =	simm.s32 $0x1B8E;
	s24 =	sld [smem:$0x3FFE];
	[sflag:s23] =	ssyncadd.s32 $0xFFFFFFFF  }
0xab: {  	s26 =	simm.s32 $execute0_lowered;
	[smem:$0x3FD2] =	sst s25  }
0xac: {  	s6 =	sshll.u32 s26, $0x1;
	_ =	strace $0x80000046;
	[dreg:$0x1] =	wrdreg $0xFFFFFFFF  }
0xad: {  	s28 =	simm.s32 $_size_execute0_lowered;
	s4 =	sadd.s32 s4, s6;
	[dreg:$0x0] =	wrdreg $0x0  }
0xae: {  	s6 =	sshll.u32 s28, $0x1;
	[dreg:$0x2] =	wrdreg s4  }
0xaf: {  	[dreg:$0x3] =	wrdreg s6  }
0xb0: {  	[dreg:$0x4] =	wrdreg $0xC0  }
0xb1: {  	_ =	task [dreg:s8], $0x5FFFF  }
0xb2: {  	[dreg:$0x1] =	wrdreg $0xFFFFFFFF  }
0xb3: {  	[dreg:$0x0] =	wrdreg $0x60  }
0xb4: {  	[dreg:$0x2] =	wrdreg s15  }
0xb5: {  	[dreg:$0x3] =	wrdreg s16  }
0xb6: {  	[dreg:$0x4] =	wrdreg s24  }
0xb7: {  	[dreg:$0x5] =	wrdreg $0x102000  }
0xb8: {  	[dreg:$0x6] =	wrdreg $0x9  }
0xb9: {  	_ =	task.clear_ibuf [dreg:s8], $0x7FFFF;
	_ =	strace $0x90000046  }
0xba: {  	s29 =	simm.s32 $0x9;
	_ =	strace $0x80000048  }
0xbb: {  	_ =	swait.ge [sflag:s29], $0x1  }
0xbc: {  	[sflag:s29] =	ssyncadd.s32 $0xFFFFFFFF  }
0xbd: {  	_ =	strace $0x90000048  }
0xbe: {  	_ =	sfence  }
0xbf: {  	s30 =	sld [smem:$0x0];
	_ =	sdelay $0x2  }
0xc0: {  	s31 =	sshll.u32 s1, $0xD;
	s1 =	sshrl.u32 s1, $0x2  }
0xc1: {  	s3 =	sand.u32 $0x4000, s31;
	s1 =	sadd.s32 s1, s30  }
0xc2: {  	s0 =	sor.u32 s3, s0;
	s1 =	sshll.u32 s1, $0x11  }
0xc3: {  	s0 =	sor.u32 s1, s0  }
0xc4: {  	s0 =	sadd.s32 $0x8F2B, s0  }
0xc5: {  	[sflag:s0] =	ssyncadd.remote.s32 $0x1  }
0xc6: {  	_ =	sfence.sel $0xFFFF  }
0xc7: {  	[dreg:$0x0] =	wrdreg $0xFFFFFFFF;
	(pc) =	sbr.abs _section_cstart, $3  }
0xc8: {  	[dreg:$0x1] =	wrdreg $0xFFFFFFFF  }
0xc9: {  	_ =	task.clear_ibuf [dreg:s8], $0x2FFFF;
	_ =	strace $0x9FFFFFFF  }
0xca: {  	(tm) =	ssettm $0x7FFFFFFF  }
0xcb: {  	_ =	shalt  }
tec
execute0_lowered:
.L_overlay_start_1:
0x0: {  	(tag) =	ssettag $0x1  }
0x1: {  	s1 =	rddreg [dreg:$0x0]  }
0x2: {  	s5 =	rddreg [dreg:$0x1]  }
0x3: {  	s0 =	rddreg [dreg:$0x2]  }
0x4: {  	s3 =	rddreg [dreg:$0x3];
	s4 =	simm.s32 $0x0  }
0x5: {  	[smem:$0x7FF] =	sst s4;
	s10 =	sadd.s32 $0x400, s0  }
0x6: {  	s15 =	simm.s32 $0x900;
	_ =	strace $0x80000047;
	[dreg:$0x5] =	wrdreg s10  }
0x7: {  	s16 =	simm.s32 $0x1100;
	[dreg:$0x9] =	wrdreg s15  }
0x8: {  	s17 =	simm.s32 $0x1900;
	[dreg:$0xa] =	wrdreg s16  }
0x9: {  	s18 =	simm.s32 $0x2100;
	[dreg:$0xb] =	wrdreg s17  }
0xa: {  	s19 =	simm.s32 $0x2900;
	[dreg:$0xc] =	wrdreg s18  }
0xb: {  	s20 =	simm.s32 $0x3100;
	[dreg:$0xd] =	wrdreg s19  }
0xc: {  	s21 =	simm.s32 $0x3900;
	[dreg:$0xe] =	wrdreg s20  }
0xd: {  	s22 =	simm.s32 $0x4100;
	[dreg:$0xf] =	wrdreg s21  }
0xe: {  	s6 =	srdreg.scid;
	s23 =	simm.s32 $0x4900;
	[dreg:$0x10] =	wrdreg s22  }
0xf: {  	s7 =	stileid.u32;
	s24 =	simm.s32 $0x5100;
	[dreg:$0x11] =	wrdreg s23  }
0x10: {  	s25 =	simm.s32 $0x5900;
	s28 =	simm.s32 $0x6100;
	[dreg:$0x12] =	wrdreg s24  }
0x11: {  	s29 =	simm.s32 $0x6900;
	s30 =	simm.s32 $0x7100;
	[dreg:$0x13] =	wrdreg s25  }
0x12: {  	s31 =	simm.s32 $0x7900;
	s6 =	sand.u32 $0x1, s6;
	[dreg:$0x14] =	wrdreg s28  }
0x13: {  	s8 =	sshll.u32 s7, $0x9;
	p0 =	sne.s32 s7, $0x0;
	[dreg:$0x15] =	wrdreg s29  }
0x14: {  	s7 =	simm.s32 $0x100;
	s9 =	sshll.u32 s6, $0x8;
	[dreg:$0x16] =	wrdreg s30  }
0x15: {  	s11 =	sshll.u32 s6, $0x4;
	s6 =	ssub.s32 $0x2, s6;
	[dreg:$0x17] =	wrdreg s31  }
0x16: {  	s10 =	simm.s32 $0x9100;
	s15 =	simm.s32 $0xB900;
	s16 =	simm.s32 $0xC100  }
0x17: {  	s17 =	simm.s32 $0xC900;
	s18 =	simm.s32 $0xD100;
	s19 =	simm.s32 $0xD900  }
0x18: {  	s20 =	simm.s32 $0xE100;
	s21 =	simm.s32 $0xE900;
	s22 =	simm.s32 $0xF100  }
0x19: {  	s23 =	simm.s32 $0xF900;
	s24 =	simm.s32 $0x10100;
	s25 =	simm.s32 $0x1  }
0x1a: {  	s8 =	sor.u32 s9, s8;
	s12 =	sadd.s32 s11, s0;
	s26 =	sshrl.u32 s6, $0x1  }
0x1b: {  	s11 =	simm.s32 $0x9900;
	s9 =	sshll.u32 s8, $0x5;
	s8 =	sshrl.u32 s8, $0x3  }
0x1c: {  	s14 =	sadd.s32 $0x40600, s12;
	s6 =	ssub.s32 s6, s26;
	s12 =	simm.s32 $0xA100  }
0x1d: {  	s9 =	sadd.s32 s9, s0;
	s5 =	sadd.s32 s5, s8;
	[dreg:$0x8] =	wrdreg s14  }
0x1e: {  	v2 =	vlaneseq.u32;
	s8 =	simm.s32 $0x8100;
	s14 =	simm.s32 $0xB100;
	[dreg:$0x6] =	wrdreg s5  }
0x1f: {  	vm0 =	vmmov $0xffff;
	v1 =	vshrl.u32 v2, $0x3;
	s13 =	sadd.s32 $0x600, s9;
	s5 =	smax.u32 s6, $0x1;
	s6 =	simm.s32 $0x2  }
0x20: {  	v0 =	vand.u32 $0x7, v2;
	v2 =	vor.u32 $0x8, v2;
	v1 =	vmul.u32 $0x8, v1;
	s9 =	simm.s32 $0x8900;
	[dreg:$0x7] =	wrdreg s13;
	s13 =	simm.s32 $0xA900  }
.LBB2_1:
0x21: {  	s26 =	rddreg [dreg:$0x6]  }
0x22: {  	[tilespmem:s4], [sflag:$0x2] =	stream.linear.gather [hbm4b:s26+s4], $0x100, $0x38;
	[tilespmem:$0x10400] =	vst v63  }
0x23: {  	_ =	swait.ge [sflag:s6], $0x100  }
0x24: {  	[sflag:s6] =	ssyncset.done $0x0  }
0x25: {  	[sflag:s6] =	ssyncadd.s32 $0xFFFFFF00  }
0x26: {  	v3 =	vld [tilespmem:$0x0];
	_ =	sdelay $0x4  }
0x27: {  	v4 =	vshll.u32 v3, $0x1  }
0x28: {  	v3 =	vand.u32 $0x7, v3;
	v4 =	vand.u32 $0xFFFFFFF0, v4  }
0x29: {  	v3 =	vor.u32 v3, v4  }
0x2a: {  	v4 =	vperm.xlane v3, v0;
	_ =	sdelay $0x1  }
0x2b: {  	v3 =	vperm.xlane v3, v2;
	v4 =	vadd.s32 v1, v4;
	_ =	sdelay $0x1  }
0x2c: {  	v3 =	vadd.s32 v1, v3;
	_ =	sdelay $0x2  }
0x2d: {  	[tilespmem:s7], [sflag:$0x1] =	stream.indirect_vreg.gather [hbm4b:s1+s4], $0x80, v4, vm0, $0xb8;
	[tilespmem:$0x10400] =	vst v63  }
0x2e: {  	s0 =	rddreg [dreg:$0x9]  }
0x2f: {  	[tilespmem:s0], [sflag:$0x1] =	stream.indirect_vreg.gather [hbm4b:s1+s4], $0x80, v3, vm0, $0xb8;
	[tilespmem:$0x10400] =	vst v63  }
0x30: {  	v3 =	vld [tilespmem:$0x10];
	_ =	sdelay $0x4  }
0x31: {  	v49 =	vshll.u32 v3, $0x1  }
0x32: {  	v3 =	vand.u32 $0x7, v3;
	v4 =	vand.u32 $0xFFFFFFF0, v49  }
0x33: {  	v3 =	vor.u32 v3, v4  }
0x34: {  	v4 =	vperm.xlane v3, v0;
	_ =	sdelay $0x1  }
0x35: {  	v3 =	vperm.xlane v3, v2;
	v4 =	vadd.s32 v1, v4;
	_ =	sdelay $0x1  }
0x36: {  	v3 =	vadd.s32 v1, v3;
	_ =	sdelay $0x1  }
0x37: {  	s2 =	rddreg [dreg:$0xa]  }
0x38: {  	[tilespmem:s2], [sflag:$0x1] =	stream.indirect_vreg.gather [hbm4b:s1+s4], $0x80, v4, vm0, $0xb8;
	[tilespmem:$0x10400] =	vst v63  }
0x39: {  	s28 =	rddreg [dreg:$0xb]  }
0x3a: {  	[tilespmem:s28], [sflag:$0x1] =	stream.indirect_vreg.gather [hbm4b:s1+s4], $0x80, v3, vm0, $0xb8;
	[tilespmem:$0x10400] =	vst v63  }
0x3b: {  	v3 =	vld [tilespmem:$0x20];
	_ =	sdelay $0x4  }
0x3c: {  	v50 =	vshll.u32 v3, $0x1  }
0x3d: {  	v3 =	vand.u32 $0x7, v3;
	v4 =	vand.u32 $0xFFFFFFF0, v50  }
0x3e: {  	v3 =	vor.u32 v3, v4  }
0x3f: {  	v4 =	vperm.xlane v3, v0;
	_ =	sdelay $0x1  }
0x40: {  	v3 =	vperm.xlane v3, v2;
	v4 =	vadd.s32 v1, v4;
	_ =	sdelay $0x1  }
0x41: {  	v3 =	vadd.s32 v1, v3;
	_ =	sdelay $0x1  }
0x42: {  	s29 =	rddreg [dreg:$0xc]  }
0x43: {  	[tilespmem:s29], [sflag:$0x1] =	stream.indirect_vreg.gather [hbm4b:s1+s4], $0x80, v4, vm0, $0xb8;
	[tilespmem:$0x10400] =	vst v63  }
0x44: {  	s30 =	rddreg [dreg:$0xd]  }
0x45: {  	[tilespmem:s30], [sflag:$0x1] =	stream.indirect_vreg.gather [hbm4b:s1+s4], $0x80, v3, vm0, $0xb8;
	[tilespmem:$0x10400] =	vst v63  }
0x46: {  	v3 =	vld [tilespmem:$0x30];
	_ =	sdelay $0x4  }
0x47: {  	v51 =	vshll.u32 v3, $0x1  }
0x48: {  	v3 =	vand.u32 $0x7, v3;
	v4 =	vand.u32 $0xFFFFFFF0, v51  }
0x49: {  	v3 =	vor.u32 v3, v4  }
0x4a: {  	v4 =	vperm.xlane v3, v0;
	_ =	sdelay $0x1  }
0x4b: {  	v3 =	vperm.xlane v3, v2;
	v4 =	vadd.s32 v1, v4;
	_ =	sdelay $0x1  }
0x4c: {  	v3 =	vadd.s32 v1, v3;
	_ =	sdelay $0x1  }
0x4d: {  	s31 =	rddreg [dreg:$0xe]  }
0x4e: {  	[tilespmem:s31], [sflag:$0x1] =	stream.indirect_vreg.gather [hbm4b:s1+s4], $0x80, v4, vm0, $0xb8;
	[tilespmem:$0x10400] =	vst v63  }
0x4f: {  	s0 =	rddreg [dreg:$0xf]  }
0x50: {  	[tilespmem:s0], [sflag:$0x1] =	stream.indirect_vreg.gather [hbm4b:s1+s4], $0x80, v3, vm0, $0xb8;
	[tilespmem:$0x10400] =	vst v63  }
0x51: {  	v3 =	vld [tilespmem:$0x40];
	_ =	sdelay $0x4  }
0x52: {  	v52 =	vshll.u32 v3, $0x1  }
0x53: {  	v3 =	vand.u32 $0x7, v3;
	v4 =	vand.u32 $0xFFFFFFF0, v52  }
0x54: {  	v3 =	vor.u32 v3, v4  }
0x55: {  	v4 =	vperm.xlane v3, v0;
	_ =	sdelay $0x1  }
0x56: {  	v3 =	vperm.xlane v3, v2;
	v4 =	vadd.s32 v1, v4;
	_ =	sdelay $0x1  }
0x57: {  	v3 =	vadd.s32 v1, v3;
	_ =	sdelay $0x1  }
0x58: {  	s2 =	rddreg [dreg:$0x10]  }
0x59: {  	[tilespmem:s2], [sflag:$0x1] =	stream.indirect_vreg.gather [hbm4b:s1+s4], $0x80, v4, vm0, $0xb8;
	[tilespmem:$0x10400] =	vst v63  }
0x5a: {  	s29 =	rddreg [dreg:$0x11]  }
0x5b: {  	[tilespmem:s29], [sflag:$0x1] =	stream.indirect_vreg.gather [hbm4b:s1+s4], $0x80, v3, vm0, $0xb8;
	[tilespmem:$0x10400] =	vst v63  }
0x5c: {  	v3 =	vld [tilespmem:$0x50];
	_ =	sdelay $0x4  }
0x5d: {  	v53 =	vshll.u32 v3, $0x1  }
0x5e: {  	v3 =	vand.u32 $0x7, v3;
	v4 =	vand.u32 $0xFFFFFFF0, v53  }
0x5f: {  	v3 =	vor.u32 v3, v4  }
0x60: {  	v4 =	vperm.xlane v3, v0;
	_ =	sdelay $0x1  }
0x61: {  	v3 =	vperm.xlane v3, v2;
	v4 =	vadd.s32 v1, v4;
	_ =	sdelay $0x1  }
0x62: {  	v3 =	vadd.s32 v1, v3;
	_ =	sdelay $0x1  }
0x63: {  	s30 =	rddreg [dreg:$0x12]  }
0x64: {  	[tilespmem:s30], [sflag:$0x1] =	stream.indirect_vreg.gather [hbm4b:s1+s4], $0x80, v4, vm0, $0xb8;
	[tilespmem:$0x10400] =	vst v63  }
0x65: {  	s31 =	rddreg [dreg:$0x13]  }
0x66: {  	[tilespmem:s31], [sflag:$0x1] =	stream.indirect_vreg.gather [hbm4b:s1+s4], $0x80, v3, vm0, $0xb8;
	[tilespmem:$0x10400] =	vst v63  }
0x67: {  	v3 =	vld [tilespmem:$0x60];
	_ =	sdelay $0x4  }
0x68: {  	v54 =	vshll.u32 v3, $0x1  }
0x69: {  	v3 =	vand.u32 $0x7, v3;
	v4 =	vand.u32 $0xFFFFFFF0, v54  }
0x6a: {  	v3 =	vor.u32 v3, v4  }
0x6b: {  	v4 =	vperm.xlane v3, v0;
	_ =	sdelay $0x1  }
0x6c: {  	v3 =	vperm.xlane v3, v2;
	v4 =	vadd.s32 v1, v4;
	_ =	sdelay $0x1  }
0x6d: {  	v3 =	vadd.s32 v1, v3;
	_ =	sdelay $0x1  }
0x6e: {  	s0 =	rddreg [dreg:$0x14]  }
0x6f: {  	[tilespmem:s0], [sflag:$0x1] =	stream.indirect_vreg.gather [hbm4b:s1+s4], $0x80, v4, vm0, $0xb8;
	[tilespmem:$0x10400] =	vst v63  }
0x70: {  	s2 =	rddreg [dreg:$0x15]  }
0x71: {  	[tilespmem:s2], [sflag:$0x1] =	stream.indirect_vreg.gather [hbm4b:s1+s4], $0x80, v3, vm0, $0xb8;
	[tilespmem:$0x10400] =	vst v63  }
0x72: {  	v3 =	vld [tilespmem:$0x70];
	_ =	sdelay $0x4  }
0x73: {  	v55 =	vshll.u32 v3, $0x1  }
0x74: {  	v3 =	vand.u32 $0x7, v3;
	v4 =	vand.u32 $0xFFFFFFF0, v55  }
0x75: {  	v3 =	vor.u32 v3, v4  }
0x76: {  	v4 =	vperm.xlane v3, v0;
	_ =	sdelay $0x1  }
0x77: {  	v3 =	vperm.xlane v3, v2;
	v4 =	vadd.s32 v1, v4;
	_ =	sdelay $0x1  }
0x78: {  	v3 =	vadd.s32 v1, v3;
	_ =	sdelay $0x1  }
0x79: {  	s29 =	rddreg [dreg:$0x16]  }
0x7a: {  	[tilespmem:s29], [sflag:$0x1] =	stream.indirect_vreg.gather [hbm4b:s1+s4], $0x80, v4, vm0, $0xb8;
	[tilespmem:$0x10400] =	vst v63  }
0x7b: {  	s30 =	rddreg [dreg:$0x17]  }
0x7c: {  	[tilespmem:s30], [sflag:$0x1] =	stream.indirect_vreg.gather [hbm4b:s1+s4], $0x80, v3, vm0, $0xb8;
	[tilespmem:$0x10400] =	vst v63  }
0x7d: {  	v3 =	vld [tilespmem:$0x80];
	_ =	sdelay $0x4  }
0x7e: {  	v56 =	vshll.u32 v3, $0x1  }
0x7f: {  	v3 =	vand.u32 $0x7, v3;
	v4 =	vand.u32 $0xFFFFFFF0, v56  }
0x80: {  	v3 =	vor.u32 v3, v4  }
0x81: {  	v4 =	vperm.xlane v3, v0;
	_ =	sdelay $0x1  }
0x82: {  	v3 =	vperm.xlane v3, v2;
	v4 =	vadd.s32 v1, v4;
	_ =	sdelay $0x1  }
0x83: {  	v3 =	vadd.s32 v1, v3;
	_ =	sdelay $0x2  }
0x84: {  	[tilespmem:s8], [sflag:$0x1] =	stream.indirect_vreg.gather [hbm4b:s1+s4], $0x80, v4, vm0, $0xb8;
	[tilespmem:$0x10400] =	vst v63  }
0x85: {  	_ = 	snop  }
0x86: {  	[tilespmem:s9], [sflag:$0x1] =	stream.indirect_vreg.gather [hbm4b:s1+s4], $0x80, v3, vm0, $0xb8;
	[tilespmem:$0x10400] =	vst v63  }
0x87: {  	v3 =	vld [tilespmem:$0x90];
	_ =	sdelay $0x4  }
0x88: {  	v57 =	vshll.u32 v3, $0x1  }
0x89: {  	v3 =	vand.u32 $0x7, v3;
	v4 =	vand.u32 $0xFFFFFFF0, v57  }
0x8a: {  	v3 =	vor.u32 v3, v4  }
0x8b: {  	v4 =	vperm.xlane v3, v0;
	_ =	sdelay $0x1  }
0x8c: {  	v3 =	vperm.xlane v3, v2;
	v4 =	vadd.s32 v1, v4;
	_ =	sdelay $0x1  }
0x8d: {  	v3 =	vadd.s32 v1, v3;
	_ =	sdelay $0x2  }
0x8e: {  	[tilespmem:s10], [sflag:$0x1] =	stream.indirect_vreg.gather [hbm4b:s1+s4], $0x80, v4, vm0, $0xb8;
	[tilespmem:$0x10400] =	vst v63  }
0x8f: {  	_ = 	snop  }
0x90: {  	[tilespmem:s11], [sflag:$0x1] =	stream.indirect_vreg.gather [hbm4b:s1+s4], $0x80, v3, vm0, $0xb8;
	[tilespmem:$0x10400] =	vst v63  }
0x91: {  	v3 =	vld [tilespmem:$0xA0];
	_ =	sdelay $0x4  }
0x92: {  	v58 =	vshll.u32 v3, $0x1  }
0x93: {  	v3 =	vand.u32 $0x7, v3;
	v4 =	vand.u32 $0xFFFFFFF0, v58  }
0x94: {  	v3 =	vor.u32 v3, v4  }
0x95: {  	v4 =	vperm.xlane v3, v0;
	_ =	sdelay $0x1  }
0x96: {  	v3 =	vperm.xlane v3, v2;
	v4 =	vadd.s32 v1, v4;
	_ =	sdelay $0x1  }
0x97: {  	v3 =	vadd.s32 v1, v3;
	_ =	sdelay $0x2  }
0x98: {  	[tilespmem:s12], [sflag:$0x1] =	stream.indirect_vreg.gather [hbm4b:s1+s4], $0x80, v4, vm0, $0xb8;
	[tilespmem:$0x10400] =	vst v63  }
0x99: {  	_ = 	snop  }
0x9a: {  	[tilespmem:s13], [sflag:$0x1] =	stream.indirect_vreg.gather [hbm4b:s1+s4], $0x80, v3, vm0, $0xb8;
	[tilespmem:$0x10400] =	vst v63  }
0x9b: {  	v3 =	vld [tilespmem:$0xB0];
	_ =	sdelay $0x4  }
0x9c: {  	v59 =	vshll.u32 v3, $0x1  }
0x9d: {  	v3 =	vand.u32 $0x7, v3;
	v4 =	vand.u32 $0xFFFFFFF0, v59  }
0x9e: {  	v3 =	vor.u32 v3, v4  }
0x9f: {  	v4 =	vperm.xlane v3, v0;
	_ =	sdelay $0x1  }
0xa0: {  	v3 =	vperm.xlane v3, v2;
	v4 =	vadd.s32 v1, v4;
	_ =	sdelay $0x1  }
0xa1: {  	v3 =	vadd.s32 v1, v3;
	_ =	sdelay $0x2  }
0xa2: {  	[tilespmem:s14], [sflag:$0x1] =	stream.indirect_vreg.gather [hbm4b:s1+s4], $0x80, v4, vm0, $0xb8;
	[tilespmem:$0x10400] =	vst v63  }
0xa3: {  	_ = 	snop  }
0xa4: {  	[tilespmem:s15], [sflag:$0x1] =	stream.indirect_vreg.gather [hbm4b:s1+s4], $0x80, v3, vm0, $0xb8;
	[tilespmem:$0x10400] =	vst v63  }
0xa5: {  	v3 =	vld [tilespmem:$0xC0];
	_ =	sdelay $0x4  }
0xa6: {  	v60 =	vshll.u32 v3, $0x1  }
0xa7: {  	v3 =	vand.u32 $0x7, v3;
	v4 =	vand.u32 $0xFFFFFFF0, v60  }
0xa8: {  	v3 =	vor.u32 v3, v4  }
0xa9: {  	v4 =	vperm.xlane v3, v0;
	_ =	sdelay $0x1  }
0xaa: {  	v3 =	vperm.xlane v3, v2;
	v4 =	vadd.s32 v1, v4;
	_ =	sdelay $0x1  }
0xab: {  	v3 =	vadd.s32 v1, v3;
	_ =	sdelay $0x2  }
0xac: {  	[tilespmem:s16], [sflag:$0x1] =	stream.indirect_vreg.gather [hbm4b:s1+s4], $0x80, v4, vm0, $0xb8;
	[tilespmem:$0x10400] =	vst v63  }
0xad: {  	_ = 	snop  }
0xae: {  	[tilespmem:s17], [sflag:$0x1] =	stream.indirect_vreg.gather [hbm4b:s1+s4], $0x80, v3, vm0, $0xb8;
	[tilespmem:$0x10400] =	vst v63  }
0xaf: {  	v3 =	vld [tilespmem:$0xD0];
	_ =	sdelay $0x4  }
0xb0: {  	v61 =	vshll.u32 v3, $0x1  }
0xb1: {  	v3 =	vand.u32 $0x7, v3;
	v4 =	vand.u32 $0xFFFFFFF0, v61  }
0xb2: {  	v3 =	vor.u32 v3, v4  }
0xb3: {  	v4 =	vperm.xlane v3, v0;
	_ =	sdelay $0x1  }
0xb4: {  	v3 =	vperm.xlane v3, v2;
	v4 =	vadd.s32 v1, v4;
	_ =	sdelay $0x1  }
0xb5: {  	v3 =	vadd.s32 v1, v3;
	_ =	sdelay $0x2  }
0xb6: {  	[tilespmem:s18], [sflag:$0x1] =	stream.indirect_vreg.gather [hbm4b:s1+s4], $0x80, v4, vm0, $0xb8;
	[tilespmem:$0x10400] =	vst v63  }
0xb7: {  	_ = 	snop  }
0xb8: {  	[tilespmem:s19], [sflag:$0x1] =	stream.indirect_vreg.gather [hbm4b:s1+s4], $0x80, v3, vm0, $0xb8;
	[tilespmem:$0x10400] =	vst v63  }
0xb9: {  	v3 =	vld [tilespmem:$0xE0];
	_ =	sdelay $0x4  }
0xba: {  	v62 =	vshll.u32 v3, $0x1  }
0xbb: {  	v3 =	vand.u32 $0x7, v3;
	v4 =	vand.u32 $0xFFFFFFF0, v62  }
0xbc: {  	v3 =	vor.u32 v3, v4  }
0xbd: {  	v4 =	vperm.xlane v3, v0;
	_ =	sdelay $0x1  }
0xbe: {  	v3 =	vperm.xlane v3, v2;
	v4 =	vadd.s32 v1, v4;
	_ =	sdelay $0x1  }
0xbf: {  	v3 =	vadd.s32 v1, v3;
	_ =	sdelay $0x2  }
0xc0: {  	[tilespmem:s20], [sflag:$0x1] =	stream.indirect_vreg.gather [hbm4b:s1+s4], $0x80, v4, vm0, $0xb8;
	[tilespmem:$0x10400] =	vst v63  }
0xc1: {  	_ = 	snop  }
0xc2: {  	[tilespmem:s21], [sflag:$0x1] =	stream.indirect_vreg.gather [hbm4b:s1+s4], $0x80, v3, vm0, $0xb8;
	[tilespmem:$0x10400] =	vst v63  }
0xc3: {  	v3 =	vld [tilespmem:$0xF0];
	_ =	sdelay $0x4  }
0xc4: {  	v63 =	vshll.u32 v3, $0x1  }
0xc5: {  	v3 =	vand.u32 $0x7, v3;
	v4 =	vand.u32 $0xFFFFFFF0, v63  }
0xc6: {  	v3 =	vor.u32 v3, v4  }
0xc7: {  	v4 =	vperm.xlane v3, v0;
	_ =	sdelay $0x1  }
0xc8: {  	v3 =	vperm.xlane v3, v2;
	v4 =	vadd.s32 v1, v4;
	_ =	sdelay $0x1  }
0xc9: {  	v3 =	vadd.s32 v1, v3;
	_ =	sdelay $0x2  }
0xca: {  	[tilespmem:s22], [sflag:$0x1] =	stream.indirect_vreg.gather [hbm4b:s1+s4], $0x80, v4, vm0, $0xb8;
	[tilespmem:$0x10400] =	vst v63  }
0xcb: {  	_ = 	snop  }
0xcc: {  	[tilespmem:s23], [sflag:$0x1] =	stream.indirect_vreg.gather [hbm4b:s1+s4], $0x80, v3, vm0, $0xb8;
	[tilespmem:$0x10400] =	vst v63  }
0xcd: {  	s31 =	rddreg [dreg:$0x5]  }
0xce: {  	[tilespmem:s24], [sflag:$0x2] =	stream.linear.gather [hbm4b:s31+s4], $0x100, $0x38;
	[tilespmem:$0x10400] =	vst v63  }
0xcf: {  	_ =	swait.ge [sflag:s6], $0x100  }
0xd0: {  	[sflag:s6] =	ssyncset.done $0x0  }
0xd1: {  	s26 =	sshrl.u32 @!p0 s3, $0x3;
	[sflag:s6] =	ssyncadd.s32 $0xFFFFFF00  }
0xd2: {  	s28 =	simm.s32 @!p0 $0x1C02;
	s29 =	simm.s32 @!p0 $0x2;
	s0 =	rddreg [dreg:$0x2]  }
0xd3: {  	[spmem:s26], [sflag:s28] =	dma.local @!p0 [hbm:s0], $0x400  }
0xd4: {  	_ =	swait.ge @!p0 [sflag:s29], $0x400  }
0xd5: {  	[sflag:s29] =	ssyncset.done @!p0 $0x0  }
0xd6: {  	[sflag:s29] =	ssyncadd.s32 @!p0 $0xFFFFFC00  }
0xd7: {  	[bflag:$0x0] =	sbarrier.arrive $0xFFFF  }
0xd8: {  	[spmem:s3] =	stream.indirect.scatter.add.f32 [tilespmem:s24], [sflag:$0x2], $0x1, s4, s7, $0xb8;
	[tilespmem:$0x10400] =	vst v63  }
0xd9: {  	_ =	swait.ge [sflag:s6], $0x100  }
0xda: {  	[sflag:s6] =	ssyncset.done $0x0  }
0xdb: {  	[sflag:s6] =	ssyncadd.s32 $0xFFFFFF00  }
0xdc: {  	_ =	swait.ge [sflag:s25], $0x10000  }
0xdd: {  	[sflag:s25] =	ssyncset.done $0x0  }
0xde: {  	s30 =	rddreg [dreg:$0x7];
	[sflag:s25] =	ssyncadd.s32 $0xFFFF0000  }
0xdf: {  	[hbm4b:s30+s4] =	stream.linear.scatter [tilespmem:s7], [sflag:$0x2], $0x10000, $0x38;
	[tilespmem:$0x10400] =	vst v63  }
0xe0: {  	_ =	swait.ge [sflag:s6], $0x10000  }
0xe1: {  	s5 =	sadd.s32 $0xFFFFFFFF, s5;
	[sflag:s6] =	ssyncset.done $0x0  }
0xe2: {  	p1 =	sne.s32 s5, $0x0;
	[sflag:s6] =	ssyncadd.s32 $0xFFFF0000  }
0xe3: {  	s2 =	simm.s32 @!p0 $0x10;
	s31 =	simm.s32 @!p0 $0x1;
	[bflag:$0x0] =	sbarrier.arrive $0xFFFF  }
.Ltmp0:
0xe4: {  	s0 =	simm.s32 @!p0 $0x20;
	s30 =	rddreg [dreg:$0x8];
	(pc) =	sbr.rel @p1 .LBB2_1-.Ltmp0, $4  }
0xe5: {  	[hbm:s30@s0], [sflag:s28] =	dma.strided @!p0 [spmem:s26@s2], $0x400, s31, $0x10   }
0xe6: {  	_ =	swait.ge @!p0 [sflag:s29], $0x400  }
0xe7: {  	[sflag:s29] =	ssyncset.done @!p0 $0x0  }
0xe8: {  	[sflag:s29] =	ssyncadd.s32 @!p0 $0xFFFFFC00  }
0xe9: {  	_ =	sfence.sel $0x180000  }
0xea: {  	[bflag:$0x0] =	sbarrier.arrive $0xFFFF  }
0xeb: {  	_ =	strace $0x90000047  }
0xec: {  	[bflag:$0x2] =	sbarrier.arrive $0xFFFF  }
0xed: {  	s0 =	rddreg [dreg:$0x4]  }
0xee: {  	s0 =	sadd.s32 @!p0 $0x100000, s0  }
0xef: {  	[sflag:s0] =	ssyncadd.tile.s32 @!p0 $0x1;
	_ =	shalt  }
.Lfunc_end2:
_tile_overlayer_lowered:
.L_overlay_start_2:
0xf0: {  	(tag) =	ssettag $0x2  }
0xf1: {  	s0 =	rddreg [dreg:$0x0];
	s2 =	stileid.u32  }
0xf2: {  	s1 =	rddreg [dreg:$0x1];
	p0 =	sne.s32 s2, $0x0  }
0xf3: {  	s3 =	rddreg [dreg:$0x2];
	[bflag:$0x3] =	sbarrier.arrive $0xFFFF;
	s2 =	simm.s32 @!p0 $0x1C02  }
0xf4: {  	[timem:s3], [sflag:s2] =	dma.local @!p0 [hbm:s0], s1  }
0xf5: {  	s0 =	simm.s32 @!p0 $0x2  }
0xf6: {  	_ =	swait.ge @!p0 [sflag:s0], s1  }
0xf7: {  	s1 =	ssub.s32 @!p0 $0x0, s1;
	[sflag:s0] =	ssyncset.done @!p0 $0x0  }
0xf8: {  	[sflag:s0] =	ssyncadd.s32 @!p0 s1  }
0xf9: {  	[bflag:$0x3] =	sbarrier.arrive $0xFFFF  }
0xfa: {  	_ =	shalt  }

</sc_bundles>
